<compile_context>
chip_gen: v7x
topology: tpu7x:2x2x1
jax: 0.10.2.dev20260603
libtpu: 0.0.44.dev20260713+nightly
codegen_flags: <defaults>
</compile_context>

<pallas_src>
import functools

import jax
import jax.numpy as jnp
from jax import lax
from jax.experimental import pallas as pl
from jax.experimental.pallas import tpu as pltpu
from jax.experimental.pallas import tpu_sc as plsc


def _proj_kernel(a_ref, emblo_ref, embhi_ref, out_ref):
    a_bf = a_ref[...].astype(jnp.bfloat16)
    lo = jnp.dot(a_bf, emblo_ref[...].astype(jnp.bfloat16),
                 preferred_element_type=jnp.float32).astype(jnp.bfloat16)
    hi = jnp.dot(a_bf, embhi_ref[...].astype(jnp.bfloat16),
                 preferred_element_type=jnp.float32).astype(jnp.bfloat16)
    lo32 = lax.convert_element_type(
        lax.bitcast_convert_type(lo, jnp.uint16), jnp.int32)
    hi32 = lax.convert_element_type(
        lax.bitcast_convert_type(hi, jnp.uint16), jnp.int32)
    out_ref[...] = lax.shift_left(hi32, 16) | lo32


def _make_sc_gather(H, B, F):
    mesh = plsc.VectorSubcoreMesh(core_axis_name="c", subcore_axis_name="s")

    @functools.partial(
        pl.kernel,
        out_type=jax.ShapeDtypeStruct((F, B), jnp.float32),
        mesh=mesh,
        compiler_params=pltpu.CompilerParams(needs_layout_passes=False),
        scratch_types=[
            pltpu.VMEM((H,), jnp.int32),
            pltpu.VMEM((B,), jnp.int32),
            pltpu.VMEM((B,), jnp.float32),
        ],
    )
    def sc_gather(projT_hbm, idxT_hbm, out_hbm, tab_v, idx_v, out_v):
        f = lax.axis_index("s") * 2 + lax.axis_index("c")

        @pl.when(f < F)
        def _():
            pltpu.sync_copy(projT_hbm.at[f], tab_v)
            pltpu.sync_copy(idxT_hbm.at[f], idx_v)

            def body(i, carry):
                ids = idx_v[pl.ds(i * 16, 16)]
                in_lo = ids < H
                widx = jnp.where(in_lo, ids, ids - H)
                w = plsc.load_gather(tab_v, [widx])
                sel = jnp.where(in_lo, w, lax.shift_right_logical(w, 16))
                out_v[pl.ds(i * 16, 16)] = plsc.bitcast(
                    lax.shift_left(sel, 16), jnp.float32)
                return carry

            lax.fori_loop(0, B // 16, body, 0)
            pltpu.sync_copy(out_v, out_hbm.at[f])

    return sc_gather


def _dense_kernel(xt_ref, w1_ref, b1_ref, w2_ref, b2_ref,
                  w3_ref, b3_ref, woh_ref, bo_ref, out_ref):
    h = jnp.maximum(
        lax.dot_general(xt_ref[...], w1_ref[...],
                        dimension_numbers=(((0,), (0,)), ((), ())),
                        preferred_element_type=jnp.float32) + b1_ref[...], 0.0)
    h = jnp.maximum(
        jnp.dot(h, w2_ref[...],
                preferred_element_type=jnp.float32) + b2_ref[...], 0.0)
    h = jnp.maximum(
        jnp.dot(h, w3_ref[...],
                preferred_element_type=jnp.float32) + b3_ref[...], 0.0)
    out_ref[...] = (lax.dot_general(
        woh_ref[...], h, dimension_numbers=(((0,), (1,)), ((), ())),
        preferred_element_type=jnp.float32) + bo_ref[0, 0])


def _combine_kernel(part_ref, dense_ref, out_ref):
    out_ref[...] = jnp.sum(part_ref[...], axis=0)[None, :] + dense_ref[...]


def kernel(dense_features, sparse_indices, emb_table, W1, b1, W2, b2, W3, b3,
           Wo, bo):
    B, DIN = dense_features.shape
    _, F = sparse_indices.shape
    V, D = emb_table.shape

    VC = 10240
    G2 = -(-V // (2 * VC))
    H = G2 * VC

    embT = emb_table.T
    idxT = sparse_indices.T
    xT = dense_features.T
    A = Wo[:F * D, 0].reshape(F, D)
    woh = Wo[F * D:, :]

    projT = pl.pallas_call(
        _proj_kernel,
        grid=(G2,),
        in_specs=[pl.BlockSpec((F, D), lambda i: (0, 0)),
                  pl.BlockSpec((D, VC), lambda i: (0, i)),
                  pl.BlockSpec((D, VC), lambda i, _G2=G2: (0, i + _G2))],
        out_specs=pl.BlockSpec((F, VC), lambda i: (0, i)),
        out_shape=jax.ShapeDtypeStruct((F, H), jnp.int32),
    )(A, embT, embT)

    partials = _make_sc_gather(H, B, F)(projT, idxT)

    blk = 1024
    densepart = pl.pallas_call(
        _dense_kernel,
        grid=(B // blk,),
        in_specs=[pl.BlockSpec((DIN, blk), lambda i: (0, i)),
                  pl.BlockSpec((DIN, 512), lambda i: (0, 0)),
                  pl.BlockSpec((1, 512), lambda i: (0, 0)),
                  pl.BlockSpec((512, 256), lambda i: (0, 0)),
                  pl.BlockSpec((1, 256), lambda i: (0, 0)),
                  pl.BlockSpec((256, D), lambda i: (0, 0)),
                  pl.BlockSpec((1, D), lambda i: (0, 0)),
                  pl.BlockSpec((D, 1), lambda i: (0, 0)),
                  pl.BlockSpec((1, 1), lambda i: (0, 0))],
        out_specs=pl.BlockSpec((1, blk), lambda i: (0, i)),
        out_shape=jax.ShapeDtypeStruct((1, B), jnp.float32),
    )(xT, W1, b1.reshape(1, -1), W2, b2.reshape(1, -1),
      W3, b3.reshape(1, -1), woh, bo.reshape(1, 1))

    out = pl.pallas_call(
        _combine_kernel,
        out_shape=jax.ShapeDtypeStruct((1, B), jnp.float32),
    )(partials, densepart)
    return out.T

# --- scband reference (transcript-rebuilt; emitter-appended) ---
"""Pipeline reference for scband-dlrm-16432544874891 (READ-ONLY COPY).

The authoritative reference and input builder live on the scoring server;
editing this copy changes nothing except your own understanding.
"""

import jax, jax.numpy as jnp
import numpy as np

B, F, V, D = 4096, 26, 100000, 32
DENSE_IN = 13

def setup_inputs(seed: int = 0) -> dict:
    key = jax.random.key(seed)
    ks = jax.random.split(key, 12)
    dense_features = jax.random.normal(ks[0], (B, DENSE_IN), dtype=jnp.float32)
    sparse_indices = jax.random.randint(ks[1], (B, F), 0, V, dtype=jnp.int32)
    emb_table = jax.random.normal(ks[2], (V, D), dtype=jnp.float32) * 0.01
    W1 = jax.random.normal(ks[3], (DENSE_IN, 512), dtype=jnp.float32) * (1.0 / np.sqrt(DENSE_IN))
    b1 = jnp.zeros((512,), dtype=jnp.float32)
    W2 = jax.random.normal(ks[4], (512, 256), dtype=jnp.float32) * (1.0 / np.sqrt(512))
    b2 = jnp.zeros((256,), dtype=jnp.float32)
    W3 = jax.random.normal(ks[5], (256, D), dtype=jnp.float32) * (1.0 / np.sqrt(256))
    b3 = jnp.zeros((D,), dtype=jnp.float32)
    over_in = F * D + D
    Wo = jax.random.normal(ks[6], (over_in, 1), dtype=jnp.float32) * (1.0 / np.sqrt(over_in))
    bo = jnp.zeros((1,), dtype=jnp.float32)
    return {"dense_features": dense_features, "sparse_indices": sparse_indices,
            "emb_table": emb_table, "W1": W1, "b1": b1, "W2": W2, "b2": b2,
            "W3": W3, "b3": b3, "Wo": Wo, "bo": bo}

def reference(dense_features, sparse_indices, emb_table, W1, b1, W2, b2, W3, b3, Wo, bo):
    # DenseArch: MLP with relu
    h = jax.nn.relu(dense_features @ W1 + b1)
    h = jax.nn.relu(h @ W2 + b2)
    h = jax.nn.relu(h @ W3 + b3)  # [B, D]
    # SparseArch: embedding bag lookup (bag size 1) -> [B, F, D]
    sp = jnp.take(emb_table, sparse_indices, axis=0)
    # InteractionArch: flatten sparse and concat with dense
    flat = sp.reshape(sp.shape[0], F * D)
    comb = jnp.concatenate([flat, h], axis=1)  # [B, F*D + D]
    # OverArch: single linear
    logits = comb @ Wo + bo  # [B, 1]
    return logits

if __name__ == "__main__":
    import jax
    _d = setup_inputs()
    print(jax.jit(kernel)(*tuple(_d.values())))

</pallas_src>

<mosaic_0001>
#map = affine_map<(d0, d1) -> (0, 0)>
module attributes {stable_mosaic.version = 14 : i64} {
  func.func @sc_gather(%arg0: i32, %arg1: i32, %arg2: memref<26x51200xi32, #tpu.memory_space<hbm>>, %arg3: memref<26x4096xi32, #tpu.memory_space<hbm>>, %arg4: memref<26x4096xf32, #tpu.memory_space<hbm>>, %arg5: memref<51200xi32, #tpu.memory_space<vmem>>, %arg6: memref<4096xi32, #tpu.memory_space<vmem>>, %arg7: memref<4096xf32, #tpu.memory_space<vmem>>) attributes {dimension_semantics = [#tpu.dimension_semantics<core_parallel>, #tpu.dimension_semantics<subcore_parallel>], iteration_bounds = array<i64: 2, 16>, scalar_prefetch = 0 : i64, scratch_operands = 3 : i64, tpu.core_type = #tpu.core_type<sc_vector_subcore>, window_params = [{transform_indices = #map}, {transform_indices = #map}, {transform_indices = #map}]} {
    %mul3A = arith.constant 2 : i32
    %mul3A_0 = arith.muli %arg1, %mul3A : i32
    %add3A = arith.addi %mul3A_0, %arg0 : i32
    %lt3A = arith.constant 26 : i32
    %lt3A_1 = arith.cmpi slt, %add3A, %lt3A : i32
    %convert_element_type3A = arith.extui %lt3A_1 : i1 to i32
    %cond3A = arith.constant 0 : i32
    %cond3A_2 = arith.cmpi ne, %convert_element_type3A, %cond3A : i32
    scf.if %cond3A_2 {
      "tpu.region"() ({
        %run_scoped3A = tpu.sem_alloc : memref<!tpu.dma_semaphore, #tpu.memory_space<semaphore_mem>>
        %dma_start3A = arith.constant 0 : i32
        %dma_start3A_8 = tpu.memref_slice %arg2[%add3A, %dma_start3A] : memref<26x51200xi32, #tpu.memory_space<hbm>> -> memref<1x51200xi32, #tpu.memory_space<hbm>>
        %dma_start3A_9 = tpu.memref_squeeze %dma_start3A_8 : memref<1x51200xi32, #tpu.memory_space<hbm>> -> memref<51200xi32, #tpu.memory_space<hbm>>
        %dma_start3A_10 = arith.constant 0 : i32
        %dma_start3A_11 = tpu.memref_slice %arg2[%add3A, %dma_start3A_10] : memref<26x51200xi32, #tpu.memory_space<hbm>> -> memref<1x51200xi32, #tpu.memory_space<hbm>>
        %dma_start3A_12 = tpu.memref_squeeze %dma_start3A_11 : memref<1x51200xi32, #tpu.memory_space<hbm>> -> memref<51200xi32, #tpu.memory_space<hbm>>
        tpu.enqueue_dma source(%dma_start3A_12 : memref<51200xi32, #tpu.memory_space<hbm>>) target(%arg5 : memref<51200xi32, #tpu.memory_space<vmem>>) target_semaphore(%run_scoped3A : memref<!tpu.dma_semaphore, #tpu.memory_space<semaphore_mem>>)
        %dma_wait3A = arith.constant 0 : i32
        %dma_wait3A_13 = tpu.memref_slice %arg2[%add3A, %dma_wait3A] : memref<26x51200xi32, #tpu.memory_space<hbm>> -> memref<1x51200xi32, #tpu.memory_space<hbm>>
        %dma_wait3A_14 = tpu.memref_squeeze %dma_wait3A_13 : memref<1x51200xi32, #tpu.memory_space<hbm>> -> memref<51200xi32, #tpu.memory_space<hbm>>
        %dma_wait3A_15 = arith.constant 0 : i32
        %dma_wait3A_16 = tpu.memref_slice %arg2[%add3A, %dma_wait3A_15] : memref<26x51200xi32, #tpu.memory_space<hbm>> -> memref<1x51200xi32, #tpu.memory_space<hbm>>
        %dma_wait3A_17 = tpu.memref_squeeze %dma_wait3A_16 : memref<1x51200xi32, #tpu.memory_space<hbm>> -> memref<51200xi32, #tpu.memory_space<hbm>>
        tpu.wait_dma2 semaphore(%run_scoped3A : memref<!tpu.dma_semaphore, #tpu.memory_space<semaphore_mem>>) src(%dma_wait3A_17 : memref<51200xi32, #tpu.memory_space<hbm>>) dst(%arg5 : memref<51200xi32, #tpu.memory_space<vmem>>)
        tpu.yield
      }) : () -> ()
      "tpu.region"() ({
        %run_scoped3A = tpu.sem_alloc : memref<!tpu.dma_semaphore, #tpu.memory_space<semaphore_mem>>
        %dma_start3A = arith.constant 0 : i32
        %dma_start3A_8 = tpu.memref_slice %arg3[%add3A, %dma_start3A] : memref<26x4096xi32, #tpu.memory_space<hbm>> -> memref<1x4096xi32, #tpu.memory_space<hbm>>
        %dma_start3A_9 = tpu.memref_squeeze %dma_start3A_8 : memref<1x4096xi32, #tpu.memory_space<hbm>> -> memref<4096xi32, #tpu.memory_space<hbm>>
        %dma_start3A_10 = arith.constant 0 : i32
        %dma_start3A_11 = tpu.memref_slice %arg3[%add3A, %dma_start3A_10] : memref<26x4096xi32, #tpu.memory_space<hbm>> -> memref<1x4096xi32, #tpu.memory_space<hbm>>
        %dma_start3A_12 = tpu.memref_squeeze %dma_start3A_11 : memref<1x4096xi32, #tpu.memory_space<hbm>> -> memref<4096xi32, #tpu.memory_space<hbm>>
        tpu.enqueue_dma source(%dma_start3A_12 : memref<4096xi32, #tpu.memory_space<hbm>>) target(%arg6 : memref<4096xi32, #tpu.memory_space<vmem>>) target_semaphore(%run_scoped3A : memref<!tpu.dma_semaphore, #tpu.memory_space<semaphore_mem>>)
        %dma_wait3A = arith.constant 0 : i32
        %dma_wait3A_13 = tpu.memref_slice %arg3[%add3A, %dma_wait3A] : memref<26x4096xi32, #tpu.memory_space<hbm>> -> memref<1x4096xi32, #tpu.memory_space<hbm>>
        %dma_wait3A_14 = tpu.memref_squeeze %dma_wait3A_13 : memref<1x4096xi32, #tpu.memory_space<hbm>> -> memref<4096xi32, #tpu.memory_space<hbm>>
        %dma_wait3A_15 = arith.constant 0 : i32
        %dma_wait3A_16 = tpu.memref_slice %arg3[%add3A, %dma_wait3A_15] : memref<26x4096xi32, #tpu.memory_space<hbm>> -> memref<1x4096xi32, #tpu.memory_space<hbm>>
        %dma_wait3A_17 = tpu.memref_squeeze %dma_wait3A_16 : memref<1x4096xi32, #tpu.memory_space<hbm>> -> memref<4096xi32, #tpu.memory_space<hbm>>
        tpu.wait_dma2 semaphore(%run_scoped3A : memref<!tpu.dma_semaphore, #tpu.memory_space<semaphore_mem>>) src(%dma_wait3A_17 : memref<4096xi32, #tpu.memory_space<hbm>>) dst(%arg6 : memref<4096xi32, #tpu.memory_space<vmem>>)
        tpu.yield
      }) : () -> ()
      %scan3A = arith.constant 0 : i32
      %scan3A_3 = arith.constant 0 : i32
      %scan3A_4 = arith.constant 256 : i32
      %scan3A_5 = arith.addi %scan3A_3, %scan3A_4 : i32
      %scan3A_6 = arith.constant 1 : i32
      scf.for %scan3A_8 = %scan3A_3 to %scan3A_5 step %scan3A_6  : i32 {
        %mul3A_9 = arith.constant 16 : i32
        %mul3A_10 = arith.muli %scan3A_8, %mul3A_9 : i32
        %get3A = arith.index_cast %mul3A_10 : i32 to index
        %get3A_11 = tpu.vector_load %arg6[%get3A] {strides = array<i32>} : memref<4096xi32, #tpu.memory_space<vmem>>, vector<16xi32>,
        %lt3A_12 = arith.constant 51200 : i32
        %lt3A_13 = vector.broadcast %lt3A_12 : i32 to vector<16xi32>
        %lt3A_14 = arith.cmpi slt, %get3A_11, %lt3A_13 : vector<16xi32>
        %sub3A = arith.constant 51200 : i32
        %sub3A_15 = vector.broadcast %sub3A : i32 to vector<16xi32>
        %sub3A_16 = arith.subi %get3A_11, %sub3A_15 : vector<16xi32>
        %select_n3A = arith.select %lt3A_14, %get3A_11, %sub3A_16 : vector<16xi1>, vector<16xi32>
        %gather3A = tpu.vector_load_idx %arg5[%select_n3A] : memref<51200xi32, #tpu.memory_space<vmem>>[vector<16xi32>], vector<16xi32>,
        %shift_right_logical3A = arith.constant 16 : i32
        %shift_right_logical3A_17 = vector.broadcast %shift_right_logical3A : i32 to vector<16xi32>
        %shift_right_logical3A_18 = arith.shrui %gather3A, %shift_right_logical3A_17 : vector<16xi32>
        %select_n3A_19 = arith.select %lt3A_14, %gather3A, %shift_right_logical3A_18 : vector<16xi1>, vector<16xi32>
        %shift_left3A = arith.constant 16 : i32
        %shift_left3A_20 = vector.broadcast %shift_left3A : i32 to vector<16xi32>
        %shift_left3A_21 = arith.shli %select_n3A_19, %shift_left3A_20 : vector<16xi32>
        %bitcast3A = vector.bitcast %shift_left3A_21 : vector<16xi32> to vector<16xf32>
        %mul3A_22 = arith.constant 16 : i32
        %mul3A_23 = arith.muli %scan3A_8, %mul3A_22 : i32
        %swap3A = arith.index_cast %mul3A_23 : i32 to index
        %swap3A_24 = tpu.vector_load %arg7[%swap3A] {strides = array<i32>} : memref<4096xf32, #tpu.memory_space<vmem>>, vector<16xf32>,
        tpu.vector_store %arg7[%swap3A], %bitcast3A {strides = array<i32>} : memref<4096xf32, #tpu.memory_space<vmem>>, vector<16xf32>,
      }
      %scan3A_7 = arith.constant 256 : i32
      "tpu.region"() ({
        %run_scoped3A = tpu.sem_alloc : memref<!tpu.dma_semaphore, #tpu.memory_space<semaphore_mem>>
        %dma_start3A = arith.constant 0 : i32
        %dma_start3A_8 = tpu.memref_slice %arg4[%add3A, %dma_start3A] : memref<26x4096xf32, #tpu.memory_space<hbm>> -> memref<1x4096xf32, #tpu.memory_space<hbm>>
        %dma_start3A_9 = tpu.memref_squeeze %dma_start3A_8 : memref<1x4096xf32, #tpu.memory_space<hbm>> -> memref<4096xf32, #tpu.memory_space<hbm>>
        %dma_start3A_10 = arith.constant 0 : i32
        %dma_start3A_11 = tpu.memref_slice %arg4[%add3A, %dma_start3A_10] : memref<26x4096xf32, #tpu.memory_space<hbm>> -> memref<1x4096xf32, #tpu.memory_space<hbm>>
        %dma_start3A_12 = tpu.memref_squeeze %dma_start3A_11 : memref<1x4096xf32, #tpu.memory_space<hbm>> -> memref<4096xf32, #tpu.memory_space<hbm>>
        tpu.enqueue_dma source(%arg7 : memref<4096xf32, #tpu.memory_space<vmem>>) target(%dma_start3A_12 : memref<4096xf32, #tpu.memory_space<hbm>>) target_semaphore(%run_scoped3A : memref<!tpu.dma_semaphore, #tpu.memory_space<semaphore_mem>>)
        %dma_wait3A = arith.constant 0 : i32
        %dma_wait3A_13 = tpu.memref_slice %arg4[%add3A, %dma_wait3A] : memref<26x4096xf32, #tpu.memory_space<hbm>> -> memref<1x4096xf32, #tpu.memory_space<hbm>>
        %dma_wait3A_14 = tpu.memref_squeeze %dma_wait3A_13 : memref<1x4096xf32, #tpu.memory_space<hbm>> -> memref<4096xf32, #tpu.memory_space<hbm>>
        %dma_wait3A_15 = arith.constant 0 : i32
        %dma_wait3A_16 = tpu.memref_slice %arg4[%add3A, %dma_wait3A_15] : memref<26x4096xf32, #tpu.memory_space<hbm>> -> memref<1x4096xf32, #tpu.memory_space<hbm>>
        %dma_wait3A_17 = tpu.memref_squeeze %dma_wait3A_16 : memref<1x4096xf32, #tpu.memory_space<hbm>> -> memref<4096xf32, #tpu.memory_space<hbm>>
        tpu.wait_dma2 semaphore(%run_scoped3A : memref<!tpu.dma_semaphore, #tpu.memory_space<semaphore_mem>>) src(%arg7 : memref<4096xf32, #tpu.memory_space<vmem>>) dst(%dma_wait3A_17 : memref<4096xf32, #tpu.memory_space<hbm>>)
        tpu.yield
      }) : () -> ()
    } else {
    }
    return
  }
}

module attributes {stable_mosaic.version = 14 : i64} {
  func.func @_dense_kernel(%arg0: i32, %arg1: memref<13x1024xf32, #tpu.memory_space<vmem>>, %arg2: memref<13x512xf32, #tpu.memory_space<vmem>>, %arg3: memref<1x512xf32, #tpu.memory_space<vmem>>, %arg4: memref<512x256xf32, #tpu.memory_space<vmem>>, %arg5: memref<1x256xf32, #tpu.memory_space<vmem>>, %arg6: memref<256x32xf32, #tpu.memory_space<vmem>>, %arg7: memref<1x32xf32, #tpu.memory_space<vmem>>, %arg8: memref<32x1xf32, #tpu.memory_space<vmem>>, %arg9: memref<1x1xf32, #tpu.memory_space<vmem>>, %arg10: memref<1x1024xf32, #tpu.memory_space<vmem>>) attributes {dimension_semantics = [#tpu.dimension_semantics<arbitrary>], iteration_bounds = array<i64: 4>, scalar_prefetch = 0 : i64, scratch_operands = 0 : i64, tpu.core_type = #tpu.core_type<tc>, window_params = [{transform_indices = @transform_0, window_bounds = array<i64: 13, 1024>}, {pipeline_mode = #tpu.pipeline_mode<synchronous>, transform_indices = @transform_1, window_bounds = array<i64: 13, 512>}, {pipeline_mode = #tpu.pipeline_mode<synchronous>, transform_indices = @transform_2, window_bounds = array<i64: 1, 512>}, {pipeline_mode = #tpu.pipeline_mode<synchronous>, transform_indices = @transform_3, window_bounds = array<i64: 512, 256>}, {pipeline_mode = #tpu.pipeline_mode<synchronous>, transform_indices = @transform_4, window_bounds = array<i64: 1, 256>}, {pipeline_mode = #tpu.pipeline_mode<synchronous>, transform_indices = @transform_5, window_bounds = array<i64: 256, 32>}, {pipeline_mode = #tpu.pipeline_mode<synchronous>, transform_indices = @transform_6, window_bounds = array<i64: 1, 32>}, {pipeline_mode = #tpu.pipeline_mode<synchronous>, transform_indices = @transform_7, window_bounds = array<i64: 32, 1>}, {pipeline_mode = #tpu.pipeline_mode<synchronous>, transform_indices = @transform_8, window_bounds = array<i64: 1, 1>}, {transform_indices = @transform_9, window_bounds = array<i64: 1, 1024>}]} {
    %get3A = arith.constant 0 : index
    %get3A_0 = arith.constant 0 : index
    %get3A_1 = vector.load %arg1[%get3A, %get3A_0] : memref<13x1024xf32, #tpu.memory_space<vmem>>, vector<13x1024xf32>
    %get3A_2 = arith.constant 0 : index
    %get3A_3 = arith.constant 0 : index
    %get3A_4 = vector.load %arg2[%get3A_2, %get3A_3] : memref<13x512xf32, #tpu.memory_space<vmem>>, vector<13x512xf32>
    %dot_general3A = arith.constant dense<0.000000e+00> : vector<1024x512xf32>
    %dot_general3A_5 = tpu.matmul %get3A_1, %get3A_4, %dot_general3A {dimension_numbers = #tpu.dot_dimension_numbers<[0], [0], [1], [1], [0, 1, 1, 1], [], []>, transpose_lhs_hint = false} : vector<13x1024xf32>, vector<13x512xf32>, vector<1024x512xf32> -> vector<1024x512xf32>
    %get3A_6 = arith.constant 0 : index
    %get3A_7 = arith.constant 0 : index
    %get3A_8 = vector.load %arg3[%get3A_6, %get3A_7] : memref<1x512xf32, #tpu.memory_space<vmem>>, vector<1x512xf32>
    %add3A = vector.broadcast %get3A_8 : vector<1x512xf32> to vector<1024x512xf32>
    %add3A_9 = arith.addf %dot_general3A_5, %add3A : vector<1024x512xf32>
    %max3A = arith.constant 0.000000e+00 : f32
    %max3A_10 = vector.broadcast %max3A : f32 to vector<1024x512xf32>
    %max3A_11 = arith.maximumf %add3A_9, %max3A_10 : vector<1024x512xf32>
    %get3A_12 = arith.constant 0 : index
    %get3A_13 = arith.constant 0 : index
    %get3A_14 = vector.load %arg4[%get3A_12, %get3A_13] : memref<512x256xf32, #tpu.memory_space<vmem>>, vector<512x256xf32>
    %dot_general3A_15 = arith.constant dense<0.000000e+00> : vector<1024x256xf32>
    %dot_general3A_16 = tpu.matmul %max3A_11, %get3A_14, %dot_general3A_15 {dimension_numbers = #tpu.dot_dimension_numbers<[1], [0], [0], [1], [0, 0, 1, 1], [], []>, transpose_lhs_hint = false} : vector<1024x512xf32>, vector<512x256xf32>, vector<1024x256xf32> -> vector<1024x256xf32>
    %get3A_17 = arith.constant 0 : index
    %get3A_18 = arith.constant 0 : index
    %get3A_19 = vector.load %arg5[%get3A_17, %get3A_18] : memref<1x256xf32, #tpu.memory_space<vmem>>, vector<1x256xf32>
    %add3A_20 = vector.broadcast %get3A_19 : vector<1x256xf32> to vector<1024x256xf32>
    %add3A_21 = arith.addf %dot_general3A_16, %add3A_20 : vector<1024x256xf32>
    %max3A_22 = arith.constant 0.000000e+00 : f32
    %max3A_23 = vector.broadcast %max3A_22 : f32 to vector<1024x256xf32>
    %max3A_24 = arith.maximumf %add3A_21, %max3A_23 : vector<1024x256xf32>
    %get3A_25 = arith.constant 0 : index
    %get3A_26 = arith.constant 0 : index
    %get3A_27 = vector.load %arg6[%get3A_25, %get3A_26] : memref<256x32xf32, #tpu.memory_space<vmem>>, vector<256x32xf32>
    %dot_general3A_28 = arith.constant dense<0.000000e+00> : vector<1024x32xf32>
    %dot_general3A_29 = tpu.matmul %max3A_24, %get3A_27, %dot_general3A_28 {dimension_numbers = #tpu.dot_dimension_numbers<[1], [0], [0], [1], [0, 0, 1, 1], [], []>, transpose_lhs_hint = false} : vector<1024x256xf32>, vector<256x32xf32>, vector<1024x32xf32> -> vector<1024x32xf32>
    %get3A_30 = arith.constant 0 : index
    %get3A_31 = arith.constant 0 : index
    %get3A_32 = vector.load %arg7[%get3A_30, %get3A_31] : memref<1x32xf32, #tpu.memory_space<vmem>>, vector<1x32xf32>
    %add3A_33 = vector.broadcast %get3A_32 : vector<1x32xf32> to vector<1024x32xf32>
    %add3A_34 = arith.addf %dot_general3A_29, %add3A_33 : vector<1024x32xf32>
    %max3A_35 = arith.constant 0.000000e+00 : f32
    %max3A_36 = vector.broadcast %max3A_35 : f32 to vector<1024x32xf32>
    %max3A_37 = arith.maximumf %add3A_34, %max3A_36 : vector<1024x32xf32>
    %get3A_38 = arith.constant 0 : index
    %get3A_39 = arith.constant 0 : index
    %get3A_40 = vector.load %arg8[%get3A_38, %get3A_39] : memref<32x1xf32, #tpu.memory_space<vmem>>, vector<32x1xf32>
    %dot_general3A_41 = arith.constant dense<0.000000e+00> : vector<1x1024xf32>
    %dot_general3A_42 = tpu.matmul %get3A_40, %max3A_37, %dot_general3A_41 {dimension_numbers = #tpu.dot_dimension_numbers<[0], [1], [1], [0], [0, 1, 1, 0], [], []>, transpose_lhs_hint = false} : vector<32x1xf32>, vector<1024x32xf32>, vector<1x1024xf32> -> vector<1x1024xf32>
    %get3A_43 = arith.constant 0 : index
    %get3A_44 = arith.constant 0 : index
    %get3A_45 = vector.load %arg9[%get3A_43, %get3A_44] : memref<1x1xf32, #tpu.memory_space<vmem>>, vector<1x1xf32>
    %get3A_46 = vector.extract %get3A_45[0, 0] : f32 from vector<1x1xf32>
    %add3A_47 = vector.broadcast %get3A_46 : f32 to vector<1x1024xf32>
    %add3A_48 = arith.addf %dot_general3A_42, %add3A_47 : vector<1x1024xf32>
    %swap3A = arith.constant 0 : index
    %swap3A_49 = arith.constant 0 : index
    %swap3A_50 = vector.load %arg10[%swap3A, %swap3A_49] : memref<1x1024xf32, #tpu.memory_space<vmem>>, vector<1x1024xf32>
    tpu.vector_store %arg10[%swap3A, %swap3A_49], %add3A_48 {strides = array<i32>} : memref<1x1024xf32, #tpu.memory_space<vmem>>, vector<1x1024xf32>,
    return
  }
  func.func @transform_0(%arg0: i32) -> (i32, i32) {
    %c0_i32 = arith.constant 0 : i32
    %c0_i32_0 = arith.constant 0 : i32
    return %c0_i32, %arg0 : i32, i32
  }
  func.func @transform_1(%arg0: i32) -> (i32, i32) {
    %c0_i32 = arith.constant 0 : i32
    %c0_i32_0 = arith.constant 0 : i32
    %c0_i32_1 = arith.constant 0 : i32
    return %c0_i32, %c0_i32_0 : i32, i32
  }
  func.func @transform_2(%arg0: i32) -> (i32, i32) {
    %c0_i32 = arith.constant 0 : i32
    %c0_i32_0 = arith.constant 0 : i32
    %c0_i32_1 = arith.constant 0 : i32
    return %c0_i32, %c0_i32_0 : i32, i32
  }
  func.func @transform_3(%arg0: i32) -> (i32, i32) {
    %c0_i32 = arith.constant 0 : i32
    %c0_i32_0 = arith.constant 0 : i32
    %c0_i32_1 = arith.constant 0 : i32
    return %c0_i32, %c0_i32_0 : i32, i32
  }
  func.func @transform_4(%arg0: i32) -> (i32, i32) {
    %c0_i32 = arith.constant 0 : i32
    %c0_i32_0 = arith.constant 0 : i32
    %c0_i32_1 = arith.constant 0 : i32
    return %c0_i32, %c0_i32_0 : i32, i32
  }
  func.func @transform_5(%arg0: i32) -> (i32, i32) {
    %c0_i32 = arith.constant 0 : i32
    %c0_i32_0 = arith.constant 0 : i32
    %c0_i32_1 = arith.constant 0 : i32
    return %c0_i32, %c0_i32_0 : i32, i32
  }
  func.func @transform_6(%arg0: i32) -> (i32, i32) {
    %c0_i32 = arith.constant 0 : i32
    %c0_i32_0 = arith.constant 0 : i32
    %c0_i32_1 = arith.constant 0 : i32
    return %c0_i32, %c0_i32_0 : i32, i32
  }
  func.func @transform_7(%arg0: i32) -> (i32, i32) {
    %c0_i32 = arith.constant 0 : i32
    %c0_i32_0 = arith.constant 0 : i32
    %c0_i32_1 = arith.constant 0 : i32
    return %c0_i32, %c0_i32_0 : i32, i32
  }
  func.func @transform_8(%arg0: i32) -> (i32, i32) {
    %c0_i32 = arith.constant 0 : i32
    %c0_i32_0 = arith.constant 0 : i32
    %c0_i32_1 = arith.constant 0 : i32
    return %c0_i32, %c0_i32_0 : i32, i32
  }
  func.func @transform_9(%arg0: i32) -> (i32, i32) {
    %c0_i32 = arith.constant 0 : i32
    %c0_i32_0 = arith.constant 0 : i32
    return %c0_i32, %arg0 : i32, i32
  }
}

module attributes {stable_mosaic.version = 14 : i64} {
  func.func @_combine_kernel(%arg0: memref<26x4096xf32, #tpu.memory_space<vmem>>, %arg1: memref<1x4096xf32, #tpu.memory_space<vmem>>, %arg2: memref<1x4096xf32, #tpu.memory_space<vmem>>) attributes {dimension_semantics = [], scalar_prefetch = 0 : i64, scratch_operands = 0 : i64, tpu.core_type = #tpu.core_type<tc>} {
    %get3A = arith.constant 0 : index
    %get3A_0 = arith.constant 0 : index
    %get3A_1 = vector.load %arg0[%get3A, %get3A_0] : memref<26x4096xf32, #tpu.memory_space<vmem>>, vector<26x4096xf32>
    %reduce_sum3A = arith.constant dense<0.000000e+00> : vector<4096xf32>
    %reduce_sum3A_2 = vector.multi_reduction <add>, %get3A_1, %reduce_sum3A [0] : vector<26x4096xf32> to vector<4096xf32>
    %broadcast_in_dim3A = vector.shape_cast %reduce_sum3A_2 : vector<4096xf32> to vector<1x4096xf32>
    %get3A_3 = arith.constant 0 : index
    %get3A_4 = arith.constant 0 : index
    %get3A_5 = vector.load %arg1[%get3A_3, %get3A_4] : memref<1x4096xf32, #tpu.memory_space<vmem>>, vector<1x4096xf32>
    %add3A = arith.addf %broadcast_in_dim3A, %get3A_5 : vector<1x4096xf32>
    %swap3A = arith.constant 0 : index
    %swap3A_6 = arith.constant 0 : index
    %swap3A_7 = vector.load %arg2[%swap3A, %swap3A_6] : memref<1x4096xf32, #tpu.memory_space<vmem>>, vector<1x4096xf32>
    tpu.vector_store %arg2[%swap3A, %swap3A_6], %add3A {strides = array<i32>} : memref<1x4096xf32, #tpu.memory_space<vmem>>, vector<1x4096xf32>,
    return
  }
}

module attributes {stable_mosaic.version = 14 : i64} {
  func.func @_proj_kernel(%arg0: i32, %arg1: memref<26x32xf32, #tpu.memory_space<vmem>>, %arg2: memref<32x10240xf32, #tpu.memory_space<vmem>>, %arg3: memref<32x10240xf32, #tpu.memory_space<vmem>>, %arg4: memref<26x10240xi32, #tpu.memory_space<vmem>>) attributes {dimension_semantics = [#tpu.dimension_semantics<arbitrary>], iteration_bounds = array<i64: 5>, scalar_prefetch = 0 : i64, scratch_operands = 0 : i64, tpu.core_type = #tpu.core_type<tc>, window_params = [{pipeline_mode = #tpu.pipeline_mode<synchronous>, transform_indices = @transform_0, window_bounds = array<i64: 26, 32>}, {transform_indices = @transform_1, window_bounds = array<i64: 32, 10240>}, {transform_indices = @transform_2, window_bounds = array<i64: 32, 10240>}, {transform_indices = @transform_3, window_bounds = array<i64: 26, 10240>}]} {
    %get3A = arith.constant 0 : index
    %get3A_0 = arith.constant 0 : index
    %get3A_1 = vector.load %arg1[%get3A, %get3A_0] : memref<26x32xf32, #tpu.memory_space<vmem>>, vector<26x32xf32>
    %convert_element_type3A = arith.truncf %get3A_1 : vector<26x32xf32> to vector<26x32xbf16>
    %get3A_2 = arith.constant 0 : index
    %get3A_3 = arith.constant 0 : index
    %get3A_4 = vector.load %arg2[%get3A_2, %get3A_3] : memref<32x10240xf32, #tpu.memory_space<vmem>>, vector<32x10240xf32>
    %convert_element_type3A_5 = arith.truncf %get3A_4 : vector<32x10240xf32> to vector<32x10240xbf16>
    %dot_general3A = arith.constant dense<0.000000e+00> : vector<26x10240xf32>
    %dot_general3A_6 = tpu.matmul %convert_element_type3A, %convert_element_type3A_5, %dot_general3A {dimension_numbers = #tpu.dot_dimension_numbers<[1], [0], [0], [1], [0, 0, 1, 1], [], []>, transpose_lhs_hint = false} : vector<26x32xbf16>, vector<32x10240xbf16>, vector<26x10240xf32> -> vector<26x10240xf32>
    %convert_element_type3A_7 = arith.truncf %dot_general3A_6 : vector<26x10240xf32> to vector<26x10240xbf16>
    %get3A_8 = arith.constant 0 : index
    %get3A_9 = arith.constant 0 : index
    %get3A_10 = vector.load %arg3[%get3A_8, %get3A_9] : memref<32x10240xf32, #tpu.memory_space<vmem>>, vector<32x10240xf32>
    %convert_element_type3A_11 = arith.truncf %get3A_10 : vector<32x10240xf32> to vector<32x10240xbf16>
    %dot_general3A_12 = arith.constant dense<0.000000e+00> : vector<26x10240xf32>
    %dot_general3A_13 = tpu.matmul %convert_element_type3A, %convert_element_type3A_11, %dot_general3A_12 {dimension_numbers = #tpu.dot_dimension_numbers<[1], [0], [0], [1], [0, 0, 1, 1], [], []>, transpose_lhs_hint = false} : vector<26x32xbf16>, vector<32x10240xbf16>, vector<26x10240xf32> -> vector<26x10240xf32>
    %convert_element_type3A_14 = arith.truncf %dot_general3A_13 : vector<26x10240xf32> to vector<26x10240xbf16>
    %bitcast_convert_type3A = tpu.bitcast %convert_element_type3A_7 : vector<26x10240xbf16> -> vector<26x10240xi16>
    %convert_element_type3A_15 = arith.extui %bitcast_convert_type3A : vector<26x10240xi16> to vector<26x10240xi32>
    %bitcast_convert_type3A_16 = tpu.bitcast %convert_element_type3A_14 : vector<26x10240xbf16> -> vector<26x10240xi16>
    %convert_element_type3A_17 = arith.extui %bitcast_convert_type3A_16 : vector<26x10240xi16> to vector<26x10240xi32>
    %shift_left3A = arith.constant 16 : i32
    %shift_left3A_18 = vector.broadcast %shift_left3A : i32 to vector<26x10240xi32>
    %shift_left3A_19 = arith.shli %convert_element_type3A_17, %shift_left3A_18 : vector<26x10240xi32>
    %or3A = arith.ori %shift_left3A_19, %convert_element_type3A_15 : vector<26x10240xi32>
    %swap3A = arith.constant 0 : index
    %swap3A_20 = arith.constant 0 : index
    %swap3A_21 = vector.load %arg4[%swap3A, %swap3A_20] : memref<26x10240xi32, #tpu.memory_space<vmem>>, vector<26x10240xi32>
    tpu.vector_store %arg4[%swap3A, %swap3A_20], %or3A {strides = array<i32>} : memref<26x10240xi32, #tpu.memory_space<vmem>>, vector<26x10240xi32>,
    return
  }
  func.func @transform_0(%arg0: i32) -> (i32, i32) {
    %c0_i32 = arith.constant 0 : i32
    %c0_i32_0 = arith.constant 0 : i32
    %c0_i32_1 = arith.constant 0 : i32
    return %c0_i32, %c0_i32_0 : i32, i32
  }
  func.func @transform_1(%arg0: i32) -> (i32, i32) {
    %c0_i32 = arith.constant 0 : i32
    %c0_i32_0 = arith.constant 0 : i32
    return %c0_i32, %arg0 : i32, i32
  }
  func.func @transform_2(%arg0: i32) -> (i32, i32) {
    %add3A = arith.constant 5 : i32
    %add3A_0 = arith.addi %arg0, %add3A : i32
    %c0_i32 = arith.constant 0 : i32
    %c0_i32_1 = arith.constant 0 : i32
    return %c0_i32, %add3A_0 : i32, i32
  }
  func.func @transform_3(%arg0: i32) -> (i32, i32) {
    %c0_i32 = arith.constant 0 : i32
    %c0_i32_0 = arith.constant 0 : i32
    return %c0_i32, %arg0 : i32, i32
  }
}

</mosaic_0001>

<sc_bundles>
// kernel: kernel.6.cloned.1.call-start
scs
__scs_entry_jumppad:
0x0: {  	(pc) =	sbr.rel $0x88, $3  }
0x1: {  	(tag) =	ssettag $0x0;
	lr =	simm.s32 $0x1  }
0x2: {  	[smem:$0x3F96] =	sst lr;
	_ =	strace $0xD0000000  }
0x3: {  	_ = 	snop  }
0x4: {  	_ = 	snop  }
0x5: {  	_ = 	snop  }
0x6: {  	_ = 	snop  }
0x7: {  	_ = 	snop  }
__scs_overlays_trampoline_lowered:
0x8: {  	[smem:$0x3FA5] =	sst s0  }
0x9: {  	[smem:$0x3FA6] =	sst s1  }
0xa: {  	[smem:$0x3FA7] =	sst s2  }
0xb: {  	[smem:$0x3FA8] =	sst s3  }
0xc: {  	[smem:$0x3FA9] =	sst s4  }
0xd: {  	[smem:$0x3FAA] =	sst s5  }
0xe: {  	[smem:$0x3FAB] =	sst s6  }
0xf: {  	[smem:$0x3FAC] =	sst s7  }
0x10: {  	[smem:$0x3FAD] =	sst s8  }
0x11: {  	[smem:$0x3FAE] =	sst s9;
	s0 =	simm.s32 @!p0 $0x0  }
0x12: {  	s1 =	sld [smem:$0x3F94];
	s0 =	simm.s32 @p0 $0x1  }
0x13: {  	[smem:$0x3FAF] =	sst s0;
	s0 =	simm.s32 @!p1 $0x0  }
0x14: {  	s2 =	sld [smem:$0x3F93];
	s0 =	simm.s32 @p1 $0x1  }
0x15: {  	[smem:$0x3FB0] =	sst s0;
	s0 =	simm.s32 @!p2 $0x0  }
0x16: {  	s3 =	sld [smem:$0x3FDB];
	s0 =	simm.s32 @p2 $0x1  }
0x17: {  	s4 =	simm.s32 $0x1BF5;
	[smem:$0x3FB2] =	sst s0  }
0x18: {  	s0 =	sld [smem:$0x3F95];
	_ =	swait.ge [sflag:s4], $0x0  }
0x19: {  	s7 =	sld [smem:$0x3F96]  }
0x1a: {  	s8 =	sadd.s32 $0xFFFFE003, lr  }
0x1b: {  	s9 =	sadd.s32 $0xFFFFFEF7, lr;
	s5 =	simm.s32 $0xFFFFFFFF;
	p2 =	slt.u32 s8, $0xFFFFF086  }
0x1c: {  	p1 =	slt.u32 s9, $0xF7A;
	s5 =	simm.s32 @!p2 $0x0  }
0x1d: {  	s5 =	simm.s32 @p1 $0x1;
	p0 =	seq.s32 s7, s2  }
0x1e: {  	s7 =	smul.u32 @!p0 $0xF7A, s2;
	p2 =	seq.s32 @!p0 s5, $0x0  }
0x1f: {  	s9 =	smul.u32 $0xF7A, s1;
	s8 =	simm.s32 @!p0 $0x1BF5;
	p2 =	por !p2, p0  }
0x20: {  	[sflag:s8] =	ssyncset.s32 @!p0 $0xFFFFF086;
	s6 =	sadd.s32 @!p0 s3, s7;
	s7 =	simm.s32 @!p0 $0x108  }
0x21: {  	s3 =	sadd.s32 s3, s9;
	s6 =	sadd.s32 @!p0 $0x88, s6;
	s7 =	simm.s32 @p2 $0x1082  }
0x22: {  	[simem:s7], [sflag:s8] =	dma.local @!p0 [hbm:s6], $0xF7A  }
0x23: {  	s9 =	sor.u32 $0xD0000000, s2;
	s6 =	simm.s32 $0x108;
	_ =	swait.ge @!p0 [sflag:s8], $0x0  }
0x24: {  	s3 =	sadd.s32 $0x88, s3;
	s6 =	simm.s32 @!p1 $0x1082;
	[sflag:s4] =	ssyncset.s32 $0xFFFFF086  }
0x25: {  	[simem:s6], [sflag:s4] =	dma.local [hbm:s3], $0xF7A  }
0x26: {  	[smem:$0x3F96] =	sst s1;
	(tag) =	ssettag s2;
	_ =	strace s9  }
0x27: {  	s1 =	sld [smem:$0x3FA6]  }
0x28: {  	s2 =	sld [smem:$0x3FA7]  }
0x29: {  	s4 =	sld [smem:$0x3FA9]  }
0x2a: {  	p0 =	seq.s32 s5, $0x0;
	s5 =	sld [smem:$0x3FAA]  }
0x2b: {  	s6 =	sld [smem:$0x3FAB]  }
0x2c: {  	s7 =	sld [smem:$0x3FAC]  }
0x2d: {  	s3 =	simm.s32 $0x108;
	s8 =	sld [smem:$0x3FAD]  }
0x2e: {  	s3 =	simm.s32 @!p0 $0x1082;
	s9 =	sld [smem:$0x3FAE]  }
0x2f: {  	lr =	sadd.s32 s0, s3;
	s0 =	sld [smem:$0x3FA5]  }
0x30: {  	s3 =	sld [smem:$0x3FA8]  }
0x31: {  	[smem:$0x3FB1] =	sst s10  }
0x32: {  	s10 =	sld [smem:$0x3FAF];
	_ =	sdelay $0x3  }
0x33: {  	p0 =	seq.s32 s10, $0x1;
	s10 =	sld [smem:$0x3FB1];
	_ =	sdelay $0x3  }
0x34: {  	[smem:$0x3FB1] =	sst s10  }
0x35: {  	s10 =	sld [smem:$0x3FB0];
	_ =	sdelay $0x3  }
0x36: {  	p1 =	seq.s32 s10, $0x1;
	s10 =	sld [smem:$0x3FB1];
	_ =	sdelay $0x3  }
0x37: {  	[smem:$0x3FB1] =	sst s10  }
0x38: {  	s10 =	sld [smem:$0x3FB2]  }
0x39: {  	_ = 	snop;
	(pc) =	sbr.ind lr, $3  }
0x3a: {  	_ = 	snop  }
0x3b: {  	_ = 	snop  }
0x3c: {  	p2 =	seq.s32 s10, $0x1;
	s10 =	sld [smem:$0x3FB1]  }
0x3d: {  	_ =	shalt  }
0x3e: {  	_ =	shalt  }
0x3f: {  	_ =	shalt  }
0x40: {  	_ =	shalt  }
0x41: {  	_ =	shalt  }
0x42: {  	_ =	shalt  }
0x43: {  	_ =	shalt  }
0x44: {  	_ =	shalt  }
0x45: {  	_ =	shalt  }
0x46: {  	_ =	shalt  }
0x47: {  	_ =	shalt  }
0x48: {  	_ =	shalt  }
0x49: {  	_ =	shalt  }
0x4a: {  	_ =	shalt  }
0x4b: {  	_ =	shalt  }
0x4c: {  	_ =	shalt  }
0x4d: {  	_ =	shalt  }
0x4e: {  	_ =	shalt  }
0x4f: {  	_ =	shalt  }
0x50: {  	_ =	shalt  }
0x51: {  	_ =	shalt  }
0x52: {  	_ =	shalt  }
0x53: {  	_ =	shalt  }
0x54: {  	_ =	shalt  }
0x55: {  	_ =	shalt  }
0x56: {  	_ =	shalt  }
0x57: {  	_ =	shalt  }
0x58: {  	_ =	shalt  }
0x59: {  	_ =	shalt  }
0x5a: {  	_ =	shalt  }
0x5b: {  	_ =	shalt  }
0x5c: {  	_ =	shalt  }
0x5d: {  	_ =	shalt  }
0x5e: {  	_ =	shalt  }
0x5f: {  	_ =	shalt  }
0x60: {  	_ =	shalt  }
0x61: {  	_ =	shalt  }
0x62: {  	_ =	shalt  }
0x63: {  	_ =	shalt  }
0x64: {  	_ =	shalt  }
0x65: {  	_ =	shalt  }
0x66: {  	_ =	shalt  }
0x67: {  	_ =	shalt  }
0x68: {  	_ =	shalt  }
0x69: {  	_ =	shalt  }
0x6a: {  	_ =	shalt  }
0x6b: {  	_ =	shalt  }
0x6c: {  	_ =	shalt  }
0x6d: {  	_ =	shalt  }
0x6e: {  	_ =	shalt  }
0x6f: {  	_ =	shalt  }
0x70: {  	_ =	shalt  }
0x71: {  	_ =	shalt  }
0x72: {  	_ =	shalt  }
0x73: {  	_ =	shalt  }
0x74: {  	_ =	shalt  }
0x75: {  	_ =	shalt  }
0x76: {  	_ =	shalt  }
0x77: {  	_ =	shalt  }
0x78: {  	_ =	shalt  }
0x79: {  	_ =	shalt  }
0x7a: {  	_ =	shalt  }
0x7b: {  	_ =	shalt  }
0x7c: {  	_ =	shalt  }
0x7d: {  	_ =	shalt  }
0x7e: {  	_ =	shalt  }
0x7f: {  	_ =	shalt  }
0x80: {  	_ =	shalt  }
0x81: {  	_ =	shalt  }
0x82: {  	_ =	shalt  }
0x83: {  	_ =	shalt  }
0x84: {  	_ =	shalt  }
0x85: {  	_ =	shalt  }
0x86: {  	_ =	shalt  }
0x87: {  	_ =	shalt  }
.Lfunc_end0:
.L_simem_size_0:
called_computation_lowered:
.L_overlay_start_0:
0x88: {  	s2 =	sld [smem:$0x3FD9]  }
0x89: {  	s3 =	sld [smem:$0x3FFE];
	_ =	sdelay $0x1  }
0x8a: {  	s1 =	srdreg.scid  }
0x8b: {  	s0 =	sand.u32 $0x1, s1  }
0x8c: {  	s17 =	sshll.u32 s0, $0xA;
	s2 =	sadd.s32 s3, s2  }
0x8d: {  	s2 =	sadd.s32 s2, s17  }
0x8e: {  	[smem:$0x3FBD] =	sst s2  }
0x8f: {  	_ = 	snop  }
0x90: {  	s2 =	sld [smem:$0x3FC8];
	(tm) =	ssettm $0x1  }
0x91: {  	s18 =	sld [smem:$0x3FFB];
	_ =	sdelay $0x3  }
0x92: {  	_ =	strace s18  }
0x93: {  	s3 =	sld [smem:$0x3FFC];
	_ =	sdelay $0x3  }
0x94: {  	_ =	strace s3  }
0x95: {  	s3 =	sld [smem:$0x3FFD];
	_ =	sdelay $0x3  }
0x96: {  	_ =	strace s3  }
0x97: {  	_ =	strace $0x8FFFFFFF  }
0x98: {  	s19 =	sld [smem:$0x3FDB];
	_ =	sdelay $0x1  }
0x99: {  	s4 =	simm.s32 $_scs_section_size  }
0x9a: {  	s5 =	simm.s32 $_size__tile_overlayer_lowered;
	s6 =	simm.s32 $_tile_overlayer_lowered  }
0x9b: {  	s22 =	simm.s32 $0x1BFF;
	s21 =	sshll.u32 s6, $0x1;
	s3 =	sadd.s32 s4, s19  }
0x9c: {  	s7 =	simm.s32 $0x0;
	s20 =	sshll.u32 s5, $0x1;
	s5 =	sadd.s32 s21, s3  }
0x9d: {  	[timem:s7], [sflag:s22] =	dma.local [hbm:s5], s20  }
0x9e: {  	_ =	swait.ge [sflag:s22], s20  }
0x9f: {  	s4 =	ssub.s32 $0x0, s20;
	[sflag:s22] =	ssyncset.done $0x0  }
0xa0: {  	[sflag:s22] =	ssyncadd.s32 s4;
	_ =	sdelay $0x1  }
0xa1: {  	s23 =	simm.s32 $0x1B8B  }
0xa2: {  	_ =	swait.ge [sflag:s23], $0x1  }
0xa3: {  	[sflag:s23] =	ssyncset.done $0x0  }
0xa4: {  	s25 =	simm.s32 $0x1B8E;
	s24 =	sld [smem:$0x3FFE];
	[sflag:s23] =	ssyncadd.s32 $0xFFFFFFFF  }
0xa5: {  	s26 =	simm.s32 $execute0_lowered;
	[smem:$0x3FD2] =	sst s25  }
0xa6: {  	s5 =	sshll.u32 s26, $0x1;
	_ =	strace $0x80000046;
	[dreg:$0x1] =	wrdreg $0xFFFFFFFF  }
0xa7: {  	s28 =	simm.s32 $_size_execute0_lowered;
	s3 =	sadd.s32 s3, s5;
	[dreg:$0x0] =	wrdreg $0x0  }
0xa8: {  	s5 =	sshll.u32 s28, $0x1;
	[dreg:$0x2] =	wrdreg s3  }
0xa9: {  	[dreg:$0x3] =	wrdreg s5  }
0xaa: {  	[dreg:$0x4] =	wrdreg $0xC0  }
0xab: {  	_ =	task [dreg:s7], $0x5FFFF  }
0xac: {  	[dreg:$0x1] =	wrdreg $0xFFFFFFFF  }
0xad: {  	[dreg:$0x0] =	wrdreg $0x60  }
0xae: {  	[dreg:$0x2] =	wrdreg s24  }
0xaf: {  	[dreg:$0x3] =	wrdreg s2  }
0xb0: {  	[dreg:$0x4] =	wrdreg $0x9  }
0xb1: {  	_ =	task.clear_ibuf [dreg:s7], $0x5FFFF;
	_ =	strace $0x90000046  }
0xb2: {  	s29 =	simm.s32 $0x9;
	_ =	strace $0x80000048  }
0xb3: {  	_ =	swait.ge [sflag:s29], $0x1  }
0xb4: {  	[sflag:s29] =	ssyncadd.s32 $0xFFFFFFFF  }
0xb5: {  	_ =	strace $0x90000048  }
0xb6: {  	_ =	sfence  }
0xb7: {  	s30 =	sld [smem:$0x0];
	_ =	sdelay $0x2  }
0xb8: {  	s31 =	sshll.u32 s1, $0xD;
	s1 =	sshrl.u32 s1, $0x2  }
0xb9: {  	s3 =	sand.u32 $0x4000, s31;
	s1 =	sadd.s32 s1, s30  }
0xba: {  	s0 =	sor.u32 s3, s0;
	s1 =	sshll.u32 s1, $0x11  }
0xbb: {  	s0 =	sor.u32 s1, s0  }
0xbc: {  	s0 =	sadd.s32 $0x8F2B, s0  }
0xbd: {  	[sflag:s0] =	ssyncadd.remote.s32 $0x1  }
0xbe: {  	_ =	sfence.sel $0xFFFF  }
0xbf: {  	[dreg:$0x0] =	wrdreg $0xFFFFFFFF;
	(pc) =	sbr.abs _section_cstart, $3  }
0xc0: {  	[dreg:$0x1] =	wrdreg $0xFFFFFFFF  }
0xc1: {  	_ =	task.clear_ibuf [dreg:s7], $0x2FFFF;
	_ =	strace $0x9FFFFFFF  }
0xc2: {  	(tm) =	ssettm $0x7FFFFFFF  }
0xc3: {  	_ =	shalt  }
tec
execute0_lowered:
.L_overlay_start_1:
0x0: {  	(tag) =	ssettag $0x1  }
0x1: {  	s1 =	stileid.u32  }
0x2: {  	p0 =	sgt.u32 s1, $0xC  }
.Ltmp0:
0x3: {  	_ = 	snop;
	(pc) =	sbr.rel @p0 .LBB2_5-.Ltmp0, $4  }
0x4: {  	s4 =	rddreg [dreg:$0x0]  }
0x5: {  	s3 =	rddreg [dreg:$0x1];
	s2 =	simm.s32 $0x0  }
0x6: {  	[smem:$0x7FF] =	sst s2  }
0x7: {  	s0 =	rddreg [dreg:$0x2];
	_ =	strace $0x80000047  }
0x8: {  	s5 =	srdreg.scid  }
0x9: {  	s6 =	sshll.u32 s1, $0x8;
	s7 =	sshrl.u32 s1, $0x2;
	s9 =	sadd.s32 $0x1400, s4  }
0xa: {  	s11 =	simm.s32 $0xD800;
	s5 =	sand.u32 $0x1, s5;
	s6 =	sand.u32 $0x300, s6  }
0xb: {  	s28 =	sshll.u32 s7, $0xF;
	s7 =	smul.u32 $0x64000, s7;
	s8 =	sshll.u32 s5, $0x7  }
0xc: {  	s12 =	simm.s32 $0x0;
	s5 =	ssub.s32 $0x2, s5;
	s6 =	sor.u32 s8, s6  }
0xd: {  	s10 =	sshrl.u32 s5, $0x1;
	s8 =	sor.u32 s28, s6;
	s6 =	sor.u32 s7, s6  }
0xe: {  	s30 =	ssub.s32 s5, s10;
	s7 =	simm.s32 $0x80;
	s10 =	simm.s32 $0xC800  }
0xf: {  	s8 =	sshrl.u32 s8, $0x3;
	s31 =	sshrl.u32 s6, $0x3;
	s6 =	smax.u32 s30, $0x1  }
0x10: {  	s29 =	sadd.s32 s8, s4;
	s3 =	sadd.s32 s3, s8;
	s5 =	sadd.s32 s9, s31  }
0x11: {  	s8 =	simm.s32 $0x400;
	s9 =	simm.s32 $0x1;
	s4 =	sadd.s32 $0x33400, s29  }
.LBB2_2:
0x12: {  	s13 =	simm.s32 $0x0  }
0x13: {  	[tilespmem:s13], [sflag:$0x1] =	stream.strided.gather [hbm4b:s5+s7], $0xC800, s8, s7, $0x38;
	[tilespmem:$0xE800] =	vst v63  }
0x14: {  	_ =	swait.ge [sflag:s9], $0xC800  }
0x15: {  	[sflag:s9] =	ssyncset.done $0x0  }
0x16: {  	[sflag:s9] =	ssyncadd.s32 $0xFFFF3800  }
0x17: {  	[tilespmem:s10], [sflag:$0x1] =	stream.strided.gather [hbm4b:s3+s7], $0x1000, s8, s7, $0x38;
	[tilespmem:$0xE800] =	vst v63  }
0x18: {  	_ =	swait.ge [sflag:s9], $0x1000  }
0x19: {  	[sflag:s9] =	ssyncset.done $0x0  }
0x1a: {  	s14 =	simm.s32 $0x0;
	[sflag:s9] =	ssyncadd.s32 $0xFFFFF000  }
0x1b: {  	v0 =	vld [tilespmem:s14+$0xC800];
	_ =	sdelay $0x4  }
0x1c: {  	vm0 =	vlt.s32 v0, $0xC800;
	v1 =	vadd.s32 $0xFFFF3800, v0  }
0x1d: {  	v0 =	vsel vm0, v0, v1;
	_ =	sdelay $0x4  }
0x1e: {  	s13 =	simm.s32 $0x10;
	v0 =	vld.idx.msk [tilespmem:v0+s2+$0x0], $0xffff  }
0x1f: {  	v1 =	vld [tilespmem:s13+$0xC800];
	_ =	sdelay $0x3  }
0x20: {  	vm0 =	vmmov vm0;
	v2 =	vshrl.u32 v0, $0x10  }
0x21: {  	vm1 =	vlt.s32 v1, $0xC800;
	v2 =	vsel vm0, v0, v2;
	v0 =	vadd.s32 $0xFFFF3800, v1  }
0x22: {  	v0 =	vsel vm1, v1, v0;
	_ =	sdelay $0x2  }
0x23: {  	s15 =	simm.s32 $0x20;
	s16 =	simm.s32 $0xC0;
	vm0 =	vmmov vm1;
	v1 =	vshll.u32 v2, $0x10  }
.LBB2_3:
0x24: {  	p0 =	sne.s32 s16, $0x3FC0;
	v2 =	vld [tilespmem:s15+$0xC800];
	[tilespmem:s14+$0xD800] =	vst v1;
	s14 =	smov.u32 s13;
	s13 =	smov.u32 s15  }
0x25: {  	v1 =	vld.idx.msk [tilespmem:v0+s2+$0x0], $0xffff;
	_ =	sdelay $0x3  }
.Ltmp1:
0x26: {  	vm1 =	vlt.s32 v2, $0xC800;
	v0 =	vadd.s32 $0xFFFF3800, v2;
	(pc) =	sbr.rel @p0 .LBB2_3-.Ltmp1, $4  }
0x27: {  	v0 =	vsel vm1, v2, v0  }
0x28: {  	v2 =	vshrl.u32 v1, $0x10  }
0x29: {  	v1 =	vsel vm0, v1, v2;
	vm0 =	vmmov vm1  }
0x2a: {  	s15 =	sshra.s32 s16, $0x2;
	s16 =	sadd.s32 $0x40, s16;
	v1 =	vshll.u32 v1, $0x10  }
0x2b: {  	_ =	sdelay $0x1  }
0x2c: {  	v2 =	vld [tilespmem:s15+$0xC800]  }
0x2d: {  	[tilespmem:s14+$0xD800] =	vst v1  }
0x2e: {  	v0 =	vld.idx.msk [tilespmem:v0+s2+$0x0], $0xffff;
	_ =	sdelay $0x2  }
0x2f: {  	vm1 =	vlt.s32 v2, $0xC800;
	v62 =	vadd.s32 $0xFFFF3800, v2  }
0x30: {  	v1 =	vsel vm1, v2, v62  }
0x31: {  	v63 =	vshrl.u32 v0, $0x10  }
0x32: {  	v0 =	vsel vm0, v0, v63  }
0x33: {  	v0 =	vshll.u32 v0, $0x10  }
0x34: {  	[tilespmem:s13+$0xD800] =	vst v0  }
0x35: {  	v0 =	vld.idx.msk [tilespmem:v1+s2+$0x0], $0xffff;
	_ =	sdelay $0x4  }
0x36: {  	vm15 =	vmmov vm1;
	v1 =	vshrl.u32 v0, $0x10  }
0x37: {  	s12 =	sadd.s32 $0x1, s12;
	v0 =	vsel vm15, v0, v1  }
0x38: {  	p0 =	sne.s32 s12, s6;
	v0 =	vshll.u32 v0, $0x10  }
.Ltmp2:
0x39: {  	[tilespmem:s15+$0xD800] =	vst v0;
	(pc) =	sbr.rel @p0 .LBB2_2-.Ltmp2, $4  }
0x3a: {  	[hbm4b:s4+s7] =	stream.strided.scatter [tilespmem:s11], [sflag:$0x1], $0x1000, s8, s7, $0x38;
	[tilespmem:$0xE800] =	vst v63  }
0x3b: {  	_ =	swait.ge [sflag:s9], $0x1000  }
0x3c: {  	[sflag:s9] =	ssyncset.done $0x0  }
0x3d: {  	[sflag:s9] =	ssyncadd.s32 $0xFFFFF000  }
.LBB2_5:
0x3e: {  	_ =	sfence.sel $0x180000  }
0x3f: {  	[bflag:$0x0] =	sbarrier.arrive $0xFFFF  }
0x40: {  	p0 =	sne.s32 s1, $0x0;
	_ =	strace $0x90000047  }
0x41: {  	s0 =	sadd.s32 @!p0 $0x100000, s0;
	[bflag:$0x2] =	sbarrier.arrive $0xFFFF  }
0x42: {  	[sflag:s0] =	ssyncadd.tile.s32 @!p0 $0x1;
	_ =	shalt  }
.Lfunc_end2:
_tile_overlayer_lowered:
.L_overlay_start_2:
0x43: {  	(tag) =	ssettag $0x2  }
0x44: {  	s0 =	rddreg [dreg:$0x0];
	s2 =	stileid.u32  }
0x45: {  	s1 =	rddreg [dreg:$0x1];
	p0 =	sne.s32 s2, $0x0  }
0x46: {  	s3 =	rddreg [dreg:$0x2];
	[bflag:$0x3] =	sbarrier.arrive $0xFFFF;
	s2 =	simm.s32 @!p0 $0x1C01  }
0x47: {  	[timem:s3], [sflag:s2] =	dma.local @!p0 [hbm:s0], s1  }
0x48: {  	s0 =	simm.s32 @!p0 $0x1  }
0x49: {  	_ =	swait.ge @!p0 [sflag:s0], s1  }
0x4a: {  	s1 =	ssub.s32 @!p0 $0x0, s1;
	[sflag:s0] =	ssyncset.done @!p0 $0x0  }
0x4b: {  	[sflag:s0] =	ssyncadd.s32 @!p0 s1  }
0x4c: {  	[bflag:$0x3] =	sbarrier.arrive $0xFFFF  }
0x4d: {  	_ =	shalt  }

</sc_bundles>
